<compile_context>
chip_gen: v7x
topology: tpu7x:2x2x1
jax: 0.10.2.dev20260603
libtpu: 0.0.44.dev20260713+nightly
codegen_flags: <defaults>
</compile_context>

<pallas_src>
import functools

import jax
import jax.numpy as jnp
from jax import lax
from jax.experimental import pallas as pl
from jax.experimental.pallas import tpu as pltpu
from jax.experimental.pallas import tpu_sc as plsc

_N = 10000
_NUM_WORKERS = 32
_PER_WORKER = 320
_NPAD = _NUM_WORKERS * _PER_WORKER
_VECS = _PER_WORKER // 16

_ROTATIONS = ((13, 15, 26, 6), (17, 29, 16, 24))
_KEY_LO = 42


def _rotl(v, r):
    return lax.shift_left(v, jnp.uint32(r)) | lax.shift_right_logical(
        v, jnp.uint32(32 - r))


def _keep_vec(x1):
    k0 = jnp.uint32(0)
    k1 = jnp.uint32(_KEY_LO)
    ks = (k0, k1, k0 ^ k1 ^ jnp.uint32(0x1BD11BDA))
    x0 = jnp.zeros((16,), jnp.uint32) + ks[0]
    x1 = x1 + ks[1]
    for i in range(5):
        for r in _ROTATIONS[i % 2]:
            x0 = x0 + x1
            x1 = _rotl(x1, r)
            x1 = x1 ^ x0
        x0 = x0 + ks[(i + 1) % 3]
        x1 = x1 + ks[(i + 2) % 3] + jnp.uint32(i + 1)
    bits = x0 ^ x1
    keep = lax.shift_right_logical(bits, jnp.uint32(9)) > jnp.uint32(419430)
    return jnp.where(keep, jnp.int32(1), jnp.int32(0))


@functools.lru_cache(maxsize=1)
def _build_mask_kernel():
    @functools.partial(
        pl.kernel,
        mesh=plsc.VectorSubcoreMesh(core_axis_name="c", subcore_axis_name="s"),
        out_type=jax.ShapeDtypeStruct((_NPAD,), jnp.int32),
        scratch_types=[pltpu.VMEM((_PER_WORKER,), jnp.int32)],
    )
    def _mask_kernel(out_hbm, buf):
        wid = lax.axis_index("s") * 2 + lax.axis_index("c")
        base = wid * _PER_WORKER
        lane = lax.iota(jnp.uint32, 16)

        def body(j, carry):
            cnt = lane + lax.convert_element_type(base + j * 16, jnp.uint32)
            buf[pl.ds(j * 16, 16)] = _keep_vec(cnt)
            return carry

        lax.fori_loop(0, _VECS, body, 0)
        pltpu.sync_copy(buf, out_hbm.at[pl.ds(base, _PER_WORKER)])

    return _mask_kernel


def kernel(x, y, edge_index):
    padded = _build_mask_kernel()()
    mask = padded[:_N] != 0
    return (x, edge_index, y, mask, mask)

# --- scband reference (transcript-rebuilt; emitter-appended) ---
"""Pipeline reference for scband-node-drop-60782377173482 (READ-ONLY COPY).

The authoritative reference and input builder live on the scoring server;
editing this copy changes nothing except your own understanding.
"""

import jax, jax.numpy as jnp
import numpy as np

P_DROP = 0.05

def setup_inputs(seed: int = 0) -> dict:
    key = jax.random.key(seed)
    k1, k2, k3 = jax.random.split(key, 3)
    x = jax.random.normal(k1, (10000, 128), dtype=jnp.float32)
    y = jax.random.randint(k2, (10000,), 0, 10, dtype=jnp.int64)
    edge_index = jax.random.randint(k3, (2, 320000), 0, 10000, dtype=jnp.int64)
    return {"x": x, "y": y, "edge_index": edge_index}

def reference(x, y, edge_index):
    # NodeDrop: sample uniform per-node values, zero out train/test mask where idx < p.
    # torch.empty(N).uniform_(0,1) -> jax.random.uniform with a fixed key (deterministic stand-in).
    key = jax.random.key(42)
    idx = jax.random.uniform(key, (x.shape[0],), dtype=jnp.float32)
    drop = idx < P_DROP
    train_mask = jnp.where(drop, False, jnp.ones((x.shape[0],), dtype=bool))
    test_mask = jnp.where(drop, False, jnp.ones((x.shape[0],), dtype=bool))
    # new Data(x, edge_index, y, train_mask, test_mask) -> return as tuple
    return (x, edge_index, y, train_mask, test_mask)

if __name__ == "__main__":
    import jax
    _d = setup_inputs()
    print(jax.jit(kernel)(*tuple(_d.values())))

</pallas_src>

<mosaic_0001>
#map = affine_map<(d0, d1) -> (0)>
module attributes {stable_mosaic.version = 14 : i64} {
  func.func @_mask_kernel(%arg0: i32, %arg1: i32, %arg2: memref<10240xi32, #tpu.memory_space<hbm>>, %arg3: memref<320xi32, #tpu.memory_space<vmem>>) attributes {dimension_semantics = [#tpu.dimension_semantics<core_parallel>, #tpu.dimension_semantics<subcore_parallel>], iteration_bounds = array<i64: 2, 16>, scalar_prefetch = 0 : i64, scratch_operands = 1 : i64, tpu.core_type = #tpu.core_type<sc_vector_subcore>, window_params = [{transform_indices = #map}]} {
    %mul3A = arith.constant 2 : i32
    %mul3A_0 = arith.muli %arg1, %mul3A : i32
    %add3A = arith.addi %mul3A_0, %arg0 : i32
    %mul3A_1 = arith.constant 320 : i32
    %mul3A_2 = arith.muli %add3A, %mul3A_1 : i32
    %iota3A = tpu.iota {dimensions = array<i32: 0>} : vector<16xi32>
    %scan3A = arith.constant 0 : i32
    %scan3A_3 = arith.constant 0 : i32
    %scan3A_4 = arith.constant 20 : i32
    %scan3A_5 = arith.addi %scan3A_3, %scan3A_4 : i32
    %scan3A_6 = arith.constant 1 : i32
    scf.for %scan3A_8 = %scan3A_3 to %scan3A_5 step %scan3A_6  : i32 {
      %mul3A_9 = arith.constant 16 : i32
      %mul3A_10 = arith.muli %scan3A_8, %mul3A_9 : i32
      %add3A_11 = arith.addi %mul3A_2, %mul3A_10 : i32
      %add3A_12 = vector.broadcast %add3A_11 : i32 to vector<16xi32>
      %add3A_13 = arith.addi %iota3A, %add3A_12 : vector<16xi32>
      %xor3A = arith.constant 0 : i32
      %xor3A_14 = arith.constant 42 : i32
      %xor3A_15 = arith.xori %xor3A, %xor3A_14 : i32
      %xor3A_16 = arith.constant 466688986 : i32
      %xor3A_17 = arith.xori %xor3A_15, %xor3A_16 : i32
      %broadcast_in_dim3A = arith.constant 0 : i32
      %broadcast_in_dim3A_18 = vector.broadcast %broadcast_in_dim3A : i32 to vector<16xi32>
      %add3A_19 = arith.constant 0 : i32
      %add3A_20 = vector.broadcast %add3A_19 : i32 to vector<16xi32>
      %add3A_21 = arith.addi %broadcast_in_dim3A_18, %add3A_20 : vector<16xi32>
      %add3A_22 = arith.constant 42 : i32
      %add3A_23 = vector.broadcast %add3A_22 : i32 to vector<16xi32>
      %add3A_24 = arith.addi %add3A_13, %add3A_23 : vector<16xi32>
      %add3A_25 = arith.addi %add3A_21, %add3A_24 : vector<16xi32>
      %shift_left3A = arith.constant 13 : i32
      %shift_left3A_26 = vector.broadcast %shift_left3A : i32 to vector<16xi32>
      %shift_left3A_27 = arith.shli %add3A_24, %shift_left3A_26 : vector<16xi32>
      %shift_right_logical3A = arith.constant 19 : i32
      %shift_right_logical3A_28 = vector.broadcast %shift_right_logical3A : i32 to vector<16xi32>
      %shift_right_logical3A_29 = arith.shrui %add3A_24, %shift_right_logical3A_28 : vector<16xi32>
      %or3A = arith.ori %shift_left3A_27, %shift_right_logical3A_29 : vector<16xi32>
      %xor3A_30 = arith.xori %or3A, %add3A_25 : vector<16xi32>
      %add3A_31 = arith.addi %add3A_25, %xor3A_30 : vector<16xi32>
      %shift_left3A_32 = arith.constant 15 : i32
      %shift_left3A_33 = vector.broadcast %shift_left3A_32 : i32 to vector<16xi32>
      %shift_left3A_34 = arith.shli %xor3A_30, %shift_left3A_33 : vector<16xi32>
      %shift_right_logical3A_35 = arith.constant 17 : i32
      %shift_right_logical3A_36 = vector.broadcast %shift_right_logical3A_35 : i32 to vector<16xi32>
      %shift_right_logical3A_37 = arith.shrui %xor3A_30, %shift_right_logical3A_36 : vector<16xi32>
      %or3A_38 = arith.ori %shift_left3A_34, %shift_right_logical3A_37 : vector<16xi32>
      %xor3A_39 = arith.xori %or3A_38, %add3A_31 : vector<16xi32>
      %add3A_40 = arith.addi %add3A_31, %xor3A_39 : vector<16xi32>
      %shift_left3A_41 = arith.constant 26 : i32
      %shift_left3A_42 = vector.broadcast %shift_left3A_41 : i32 to vector<16xi32>
      %shift_left3A_43 = arith.shli %xor3A_39, %shift_left3A_42 : vector<16xi32>
      %shift_right_logical3A_44 = arith.constant 6 : i32
      %shift_right_logical3A_45 = vector.broadcast %shift_right_logical3A_44 : i32 to vector<16xi32>
      %shift_right_logical3A_46 = arith.shrui %xor3A_39, %shift_right_logical3A_45 : vector<16xi32>
      %or3A_47 = arith.ori %shift_left3A_43, %shift_right_logical3A_46 : vector<16xi32>
      %xor3A_48 = arith.xori %or3A_47, %add3A_40 : vector<16xi32>
      %add3A_49 = arith.addi %add3A_40, %xor3A_48 : vector<16xi32>
      %shift_left3A_50 = arith.constant 6 : i32
      %shift_left3A_51 = vector.broadcast %shift_left3A_50 : i32 to vector<16xi32>
      %shift_left3A_52 = arith.shli %xor3A_48, %shift_left3A_51 : vector<16xi32>
      %shift_right_logical3A_53 = arith.constant 26 : i32
      %shift_right_logical3A_54 = vector.broadcast %shift_right_logical3A_53 : i32 to vector<16xi32>
      %shift_right_logical3A_55 = arith.shrui %xor3A_48, %shift_right_logical3A_54 : vector<16xi32>
      %or3A_56 = arith.ori %shift_left3A_52, %shift_right_logical3A_55 : vector<16xi32>
      %xor3A_57 = arith.xori %or3A_56, %add3A_49 : vector<16xi32>
      %add3A_58 = arith.constant 42 : i32
      %add3A_59 = vector.broadcast %add3A_58 : i32 to vector<16xi32>
      %add3A_60 = arith.addi %add3A_49, %add3A_59 : vector<16xi32>
      %add3A_61 = vector.broadcast %xor3A_17 : i32 to vector<16xi32>
      %add3A_62 = arith.addi %xor3A_57, %add3A_61 : vector<16xi32>
      %add3A_63 = arith.constant 1 : i32
      %add3A_64 = vector.broadcast %add3A_63 : i32 to vector<16xi32>
      %add3A_65 = arith.addi %add3A_62, %add3A_64 : vector<16xi32>
      %add3A_66 = arith.addi %add3A_60, %add3A_65 : vector<16xi32>
      %shift_left3A_67 = arith.constant 17 : i32
      %shift_left3A_68 = vector.broadcast %shift_left3A_67 : i32 to vector<16xi32>
      %shift_left3A_69 = arith.shli %add3A_65, %shift_left3A_68 : vector<16xi32>
      %shift_right_logical3A_70 = arith.constant 15 : i32
      %shift_right_logical3A_71 = vector.broadcast %shift_right_logical3A_70 : i32 to vector<16xi32>
      %shift_right_logical3A_72 = arith.shrui %add3A_65, %shift_right_logical3A_71 : vector<16xi32>
      %or3A_73 = arith.ori %shift_left3A_69, %shift_right_logical3A_72 : vector<16xi32>
      %xor3A_74 = arith.xori %or3A_73, %add3A_66 : vector<16xi32>
      %add3A_75 = arith.addi %add3A_66, %xor3A_74 : vector<16xi32>
      %shift_left3A_76 = arith.constant 29 : i32
      %shift_left3A_77 = vector.broadcast %shift_left3A_76 : i32 to vector<16xi32>
      %shift_left3A_78 = arith.shli %xor3A_74, %shift_left3A_77 : vector<16xi32>
      %shift_right_logical3A_79 = arith.constant 3 : i32
      %shift_right_logical3A_80 = vector.broadcast %shift_right_logical3A_79 : i32 to vector<16xi32>
      %shift_right_logical3A_81 = arith.shrui %xor3A_74, %shift_right_logical3A_80 : vector<16xi32>
      %or3A_82 = arith.ori %shift_left3A_78, %shift_right_logical3A_81 : vector<16xi32>
      %xor3A_83 = arith.xori %or3A_82, %add3A_75 : vector<16xi32>
      %add3A_84 = arith.addi %add3A_75, %xor3A_83 : vector<16xi32>
      %shift_left3A_85 = arith.constant 16 : i32
      %shift_left3A_86 = vector.broadcast %shift_left3A_85 : i32 to vector<16xi32>
      %shift_left3A_87 = arith.shli %xor3A_83, %shift_left3A_86 : vector<16xi32>
      %shift_right_logical3A_88 = arith.constant 16 : i32
      %shift_right_logical3A_89 = vector.broadcast %shift_right_logical3A_88 : i32 to vector<16xi32>
      %shift_right_logical3A_90 = arith.shrui %xor3A_83, %shift_right_logical3A_89 : vector<16xi32>
      %or3A_91 = arith.ori %shift_left3A_87, %shift_right_logical3A_90 : vector<16xi32>
      %xor3A_92 = arith.xori %or3A_91, %add3A_84 : vector<16xi32>
      %add3A_93 = arith.addi %add3A_84, %xor3A_92 : vector<16xi32>
      %shift_left3A_94 = arith.constant 24 : i32
      %shift_left3A_95 = vector.broadcast %shift_left3A_94 : i32 to vector<16xi32>
      %shift_left3A_96 = arith.shli %xor3A_92, %shift_left3A_95 : vector<16xi32>
      %shift_right_logical3A_97 = arith.constant 8 : i32
      %shift_right_logical3A_98 = vector.broadcast %shift_right_logical3A_97 : i32 to vector<16xi32>
      %shift_right_logical3A_99 = arith.shrui %xor3A_92, %shift_right_logical3A_98 : vector<16xi32>
      %or3A_100 = arith.ori %shift_left3A_96, %shift_right_logical3A_99 : vector<16xi32>
      %xor3A_101 = arith.xori %or3A_100, %add3A_93 : vector<16xi32>
      %add3A_102 = vector.broadcast %xor3A_17 : i32 to vector<16xi32>
      %add3A_103 = arith.addi %add3A_93, %add3A_102 : vector<16xi32>
      %add3A_104 = arith.constant 0 : i32
      %add3A_105 = vector.broadcast %add3A_104 : i32 to vector<16xi32>
      %add3A_106 = arith.addi %xor3A_101, %add3A_105 : vector<16xi32>
      %add3A_107 = arith.constant 2 : i32
      %add3A_108 = vector.broadcast %add3A_107 : i32 to vector<16xi32>
      %add3A_109 = arith.addi %add3A_106, %add3A_108 : vector<16xi32>
      %add3A_110 = arith.addi %add3A_103, %add3A_109 : vector<16xi32>
      %shift_left3A_111 = arith.constant 13 : i32
      %shift_left3A_112 = vector.broadcast %shift_left3A_111 : i32 to vector<16xi32>
      %shift_left3A_113 = arith.shli %add3A_109, %shift_left3A_112 : vector<16xi32>
      %shift_right_logical3A_114 = arith.constant 19 : i32
      %shift_right_logical3A_115 = vector.broadcast %shift_right_logical3A_114 : i32 to vector<16xi32>
      %shift_right_logical3A_116 = arith.shrui %add3A_109, %shift_right_logical3A_115 : vector<16xi32>
      %or3A_117 = arith.ori %shift_left3A_113, %shift_right_logical3A_116 : vector<16xi32>
      %xor3A_118 = arith.xori %or3A_117, %add3A_110 : vector<16xi32>
      %add3A_119 = arith.addi %add3A_110, %xor3A_118 : vector<16xi32>
      %shift_left3A_120 = arith.constant 15 : i32
      %shift_left3A_121 = vector.broadcast %shift_left3A_120 : i32 to vector<16xi32>
      %shift_left3A_122 = arith.shli %xor3A_118, %shift_left3A_121 : vector<16xi32>
      %shift_right_logical3A_123 = arith.constant 17 : i32
      %shift_right_logical3A_124 = vector.broadcast %shift_right_logical3A_123 : i32 to vector<16xi32>
      %shift_right_logical3A_125 = arith.shrui %xor3A_118, %shift_right_logical3A_124 : vector<16xi32>
      %or3A_126 = arith.ori %shift_left3A_122, %shift_right_logical3A_125 : vector<16xi32>
      %xor3A_127 = arith.xori %or3A_126, %add3A_119 : vector<16xi32>
      %add3A_128 = arith.addi %add3A_119, %xor3A_127 : vector<16xi32>
      %shift_left3A_129 = arith.constant 26 : i32
      %shift_left3A_130 = vector.broadcast %shift_left3A_129 : i32 to vector<16xi32>
      %shift_left3A_131 = arith.shli %xor3A_127, %shift_left3A_130 : vector<16xi32>
      %shift_right_logical3A_132 = arith.constant 6 : i32
      %shift_right_logical3A_133 = vector.broadcast %shift_right_logical3A_132 : i32 to vector<16xi32>
      %shift_right_logical3A_134 = arith.shrui %xor3A_127, %shift_right_logical3A_133 : vector<16xi32>
      %or3A_135 = arith.ori %shift_left3A_131, %shift_right_logical3A_134 : vector<16xi32>
      %xor3A_136 = arith.xori %or3A_135, %add3A_128 : vector<16xi32>
      %add3A_137 = arith.addi %add3A_128, %xor3A_136 : vector<16xi32>
      %shift_left3A_138 = arith.constant 6 : i32
      %shift_left3A_139 = vector.broadcast %shift_left3A_138 : i32 to vector<16xi32>
      %shift_left3A_140 = arith.shli %xor3A_136, %shift_left3A_139 : vector<16xi32>
      %shift_right_logical3A_141 = arith.constant 26 : i32
      %shift_right_logical3A_142 = vector.broadcast %shift_right_logical3A_141 : i32 to vector<16xi32>
      %shift_right_logical3A_143 = arith.shrui %xor3A_136, %shift_right_logical3A_142 : vector<16xi32>
      %or3A_144 = arith.ori %shift_left3A_140, %shift_right_logical3A_143 : vector<16xi32>
      %xor3A_145 = arith.xori %or3A_144, %add3A_137 : vector<16xi32>
      %add3A_146 = arith.constant 0 : i32
      %add3A_147 = vector.broadcast %add3A_146 : i32 to vector<16xi32>
      %add3A_148 = arith.addi %add3A_137, %add3A_147 : vector<16xi32>
      %add3A_149 = arith.constant 42 : i32
      %add3A_150 = vector.broadcast %add3A_149 : i32 to vector<16xi32>
      %add3A_151 = arith.addi %xor3A_145, %add3A_150 : vector<16xi32>
      %add3A_152 = arith.constant 3 : i32
      %add3A_153 = vector.broadcast %add3A_152 : i32 to vector<16xi32>
      %add3A_154 = arith.addi %add3A_151, %add3A_153 : vector<16xi32>
      %add3A_155 = arith.addi %add3A_148, %add3A_154 : vector<16xi32>
      %shift_left3A_156 = arith.constant 17 : i32
      %shift_left3A_157 = vector.broadcast %shift_left3A_156 : i32 to vector<16xi32>
      %shift_left3A_158 = arith.shli %add3A_154, %shift_left3A_157 : vector<16xi32>
      %shift_right_logical3A_159 = arith.constant 15 : i32
      %shift_right_logical3A_160 = vector.broadcast %shift_right_logical3A_159 : i32 to vector<16xi32>
      %shift_right_logical3A_161 = arith.shrui %add3A_154, %shift_right_logical3A_160 : vector<16xi32>
      %or3A_162 = arith.ori %shift_left3A_158, %shift_right_logical3A_161 : vector<16xi32>
      %xor3A_163 = arith.xori %or3A_162, %add3A_155 : vector<16xi32>
      %add3A_164 = arith.addi %add3A_155, %xor3A_163 : vector<16xi32>
      %shift_left3A_165 = arith.constant 29 : i32
      %shift_left3A_166 = vector.broadcast %shift_left3A_165 : i32 to vector<16xi32>
      %shift_left3A_167 = arith.shli %xor3A_163, %shift_left3A_166 : vector<16xi32>
      %shift_right_logical3A_168 = arith.constant 3 : i32
      %shift_right_logical3A_169 = vector.broadcast %shift_right_logical3A_168 : i32 to vector<16xi32>
      %shift_right_logical3A_170 = arith.shrui %xor3A_163, %shift_right_logical3A_169 : vector<16xi32>
      %or3A_171 = arith.ori %shift_left3A_167, %shift_right_logical3A_170 : vector<16xi32>
      %xor3A_172 = arith.xori %or3A_171, %add3A_164 : vector<16xi32>
      %add3A_173 = arith.addi %add3A_164, %xor3A_172 : vector<16xi32>
      %shift_left3A_174 = arith.constant 16 : i32
      %shift_left3A_175 = vector.broadcast %shift_left3A_174 : i32 to vector<16xi32>
      %shift_left3A_176 = arith.shli %xor3A_172, %shift_left3A_175 : vector<16xi32>
      %shift_right_logical3A_177 = arith.constant 16 : i32
      %shift_right_logical3A_178 = vector.broadcast %shift_right_logical3A_177 : i32 to vector<16xi32>
      %shift_right_logical3A_179 = arith.shrui %xor3A_172, %shift_right_logical3A_178 : vector<16xi32>
      %or3A_180 = arith.ori %shift_left3A_176, %shift_right_logical3A_179 : vector<16xi32>
      %xor3A_181 = arith.xori %or3A_180, %add3A_173 : vector<16xi32>
      %add3A_182 = arith.addi %add3A_173, %xor3A_181 : vector<16xi32>
      %shift_left3A_183 = arith.constant 24 : i32
      %shift_left3A_184 = vector.broadcast %shift_left3A_183 : i32 to vector<16xi32>
      %shift_left3A_185 = arith.shli %xor3A_181, %shift_left3A_184 : vector<16xi32>
      %shift_right_logical3A_186 = arith.constant 8 : i32
      %shift_right_logical3A_187 = vector.broadcast %shift_right_logical3A_186 : i32 to vector<16xi32>
      %shift_right_logical3A_188 = arith.shrui %xor3A_181, %shift_right_logical3A_187 : vector<16xi32>
      %or3A_189 = arith.ori %shift_left3A_185, %shift_right_logical3A_188 : vector<16xi32>
      %xor3A_190 = arith.xori %or3A_189, %add3A_182 : vector<16xi32>
      %add3A_191 = arith.constant 42 : i32
      %add3A_192 = vector.broadcast %add3A_191 : i32 to vector<16xi32>
      %add3A_193 = arith.addi %add3A_182, %add3A_192 : vector<16xi32>
      %add3A_194 = vector.broadcast %xor3A_17 : i32 to vector<16xi32>
      %add3A_195 = arith.addi %xor3A_190, %add3A_194 : vector<16xi32>
      %add3A_196 = arith.constant 4 : i32
      %add3A_197 = vector.broadcast %add3A_196 : i32 to vector<16xi32>
      %add3A_198 = arith.addi %add3A_195, %add3A_197 : vector<16xi32>
      %add3A_199 = arith.addi %add3A_193, %add3A_198 : vector<16xi32>
      %shift_left3A_200 = arith.constant 13 : i32
      %shift_left3A_201 = vector.broadcast %shift_left3A_200 : i32 to vector<16xi32>
      %shift_left3A_202 = arith.shli %add3A_198, %shift_left3A_201 : vector<16xi32>
      %shift_right_logical3A_203 = arith.constant 19 : i32
      %shift_right_logical3A_204 = vector.broadcast %shift_right_logical3A_203 : i32 to vector<16xi32>
      %shift_right_logical3A_205 = arith.shrui %add3A_198, %shift_right_logical3A_204 : vector<16xi32>
      %or3A_206 = arith.ori %shift_left3A_202, %shift_right_logical3A_205 : vector<16xi32>
      %xor3A_207 = arith.xori %or3A_206, %add3A_199 : vector<16xi32>
      %add3A_208 = arith.addi %add3A_199, %xor3A_207 : vector<16xi32>
      %shift_left3A_209 = arith.constant 15 : i32
      %shift_left3A_210 = vector.broadcast %shift_left3A_209 : i32 to vector<16xi32>
      %shift_left3A_211 = arith.shli %xor3A_207, %shift_left3A_210 : vector<16xi32>
      %shift_right_logical3A_212 = arith.constant 17 : i32
      %shift_right_logical3A_213 = vector.broadcast %shift_right_logical3A_212 : i32 to vector<16xi32>
      %shift_right_logical3A_214 = arith.shrui %xor3A_207, %shift_right_logical3A_213 : vector<16xi32>
      %or3A_215 = arith.ori %shift_left3A_211, %shift_right_logical3A_214 : vector<16xi32>
      %xor3A_216 = arith.xori %or3A_215, %add3A_208 : vector<16xi32>
      %add3A_217 = arith.addi %add3A_208, %xor3A_216 : vector<16xi32>
      %shift_left3A_218 = arith.constant 26 : i32
      %shift_left3A_219 = vector.broadcast %shift_left3A_218 : i32 to vector<16xi32>
      %shift_left3A_220 = arith.shli %xor3A_216, %shift_left3A_219 : vector<16xi32>
      %shift_right_logical3A_221 = arith.constant 6 : i32
      %shift_right_logical3A_222 = vector.broadcast %shift_right_logical3A_221 : i32 to vector<16xi32>
      %shift_right_logical3A_223 = arith.shrui %xor3A_216, %shift_right_logical3A_222 : vector<16xi32>
      %or3A_224 = arith.ori %shift_left3A_220, %shift_right_logical3A_223 : vector<16xi32>
      %xor3A_225 = arith.xori %or3A_224, %add3A_217 : vector<16xi32>
      %add3A_226 = arith.addi %add3A_217, %xor3A_225 : vector<16xi32>
      %shift_left3A_227 = arith.constant 6 : i32
      %shift_left3A_228 = vector.broadcast %shift_left3A_227 : i32 to vector<16xi32>
      %shift_left3A_229 = arith.shli %xor3A_225, %shift_left3A_228 : vector<16xi32>
      %shift_right_logical3A_230 = arith.constant 26 : i32
      %shift_right_logical3A_231 = vector.broadcast %shift_right_logical3A_230 : i32 to vector<16xi32>
      %shift_right_logical3A_232 = arith.shrui %xor3A_225, %shift_right_logical3A_231 : vector<16xi32>
      %or3A_233 = arith.ori %shift_left3A_229, %shift_right_logical3A_232 : vector<16xi32>
      %xor3A_234 = arith.xori %or3A_233, %add3A_226 : vector<16xi32>
      %add3A_235 = vector.broadcast %xor3A_17 : i32 to vector<16xi32>
      %add3A_236 = arith.addi %add3A_226, %add3A_235 : vector<16xi32>
      %add3A_237 = arith.constant 0 : i32
      %add3A_238 = vector.broadcast %add3A_237 : i32 to vector<16xi32>
      %add3A_239 = arith.addi %xor3A_234, %add3A_238 : vector<16xi32>
      %add3A_240 = arith.constant 5 : i32
      %add3A_241 = vector.broadcast %add3A_240 : i32 to vector<16xi32>
      %add3A_242 = arith.addi %add3A_239, %add3A_241 : vector<16xi32>
      %xor3A_243 = arith.xori %add3A_236, %add3A_242 : vector<16xi32>
      %shift_right_logical3A_244 = arith.constant 9 : i32
      %shift_right_logical3A_245 = vector.broadcast %shift_right_logical3A_244 : i32 to vector<16xi32>
      %shift_right_logical3A_246 = arith.shrui %xor3A_243, %shift_right_logical3A_245 : vector<16xi32>
      %gt3A = arith.constant 419430 : i32
      %gt3A_247 = vector.broadcast %gt3A : i32 to vector<16xi32>
      %gt3A_248 = arith.cmpi ugt, %shift_right_logical3A_246, %gt3A_247 : vector<16xi32>
      %jit3A = arith.constant 1 : i32
      %jit3A_249 = arith.constant 0 : i32
      %broadcast_in_dim3A_250 = vector.broadcast %jit3A : i32 to vector<16xi32>
      %broadcast_in_dim3A_251 = vector.broadcast %jit3A_249 : i32 to vector<16xi32>
      %select_n3A = arith.select %gt3A_248, %broadcast_in_dim3A_250, %broadcast_in_dim3A_251 : vector<16xi1>, vector<16xi32>
      %mul3A_252 = arith.constant 16 : i32
      %mul3A_253 = arith.muli %scan3A_8, %mul3A_252 : i32
      %swap3A = arith.index_cast %mul3A_253 : i32 to index
      %swap3A_254 = tpu.vector_load %arg3[%swap3A] {strides = array<i32>} : memref<320xi32, #tpu.memory_space<vmem>>, vector<16xi32>,
      %swap3A_255 = vector.shape_cast %swap3A_254 : vector<16xi32> to vector<16xi32>
      %swap3A_256 = vector.shape_cast %select_n3A : vector<16xi32> to vector<16xi32>
      tpu.vector_store %arg3[%swap3A], %swap3A_256 {strides = array<i32>} : memref<320xi32, #tpu.memory_space<vmem>>, vector<16xi32>,
    }
    %scan3A_7 = arith.constant 20 : i32
    "tpu.region"() ({
      %run_scoped3A = tpu.sem_alloc : memref<!tpu.dma_semaphore, #tpu.memory_space<semaphore_mem>>
      %dma_start3A = tpu.memref_slice %arg2[%mul3A_2] : memref<10240xi32, #tpu.memory_space<hbm>> -> memref<320xi32, #tpu.memory_space<hbm>>
      %dma_start3A_8 = tpu.memref_slice %arg2[%mul3A_2] : memref<10240xi32, #tpu.memory_space<hbm>> -> memref<320xi32, #tpu.memory_space<hbm>>
      tpu.enqueue_dma source(%arg3 : memref<320xi32, #tpu.memory_space<vmem>>) target(%dma_start3A_8 : memref<320xi32, #tpu.memory_space<hbm>>) target_semaphore(%run_scoped3A : memref<!tpu.dma_semaphore, #tpu.memory_space<semaphore_mem>>)
      %dma_wait3A = tpu.memref_slice %arg2[%mul3A_2] : memref<10240xi32, #tpu.memory_space<hbm>> -> memref<320xi32, #tpu.memory_space<hbm>>
      %dma_wait3A_9 = tpu.memref_slice %arg2[%mul3A_2] : memref<10240xi32, #tpu.memory_space<hbm>> -> memref<320xi32, #tpu.memory_space<hbm>>
      tpu.wait_dma2 semaphore(%run_scoped3A : memref<!tpu.dma_semaphore, #tpu.memory_space<semaphore_mem>>) src(%arg3 : memref<320xi32, #tpu.memory_space<vmem>>) dst(%dma_wait3A_9 : memref<320xi32, #tpu.memory_space<hbm>>)
      tpu.yield
    }) : () -> ()
    return
  }
}

</mosaic_0001>

<sc_bundles>
// kernel: kernel.3.cloned.1.call-start
scs
__scs_entry_jumppad:
0x0: {  	(pc) =	sbr.rel $0x88, $3  }
0x1: {  	(tag) =	ssettag $0x0;
	lr =	simm.s32 $0x1  }
0x2: {  	[smem:$0x3F9E] =	sst lr;
	_ =	strace $0xD0000000  }
0x3: {  	_ = 	snop  }
0x4: {  	_ = 	snop  }
0x5: {  	_ = 	snop  }
0x6: {  	_ = 	snop  }
0x7: {  	_ = 	snop  }
__scs_overlays_trampoline_lowered:
0x8: {  	[smem:$0x3FAD] =	sst s0  }
0x9: {  	[smem:$0x3FAE] =	sst s1  }
0xa: {  	[smem:$0x3FAF] =	sst s2  }
0xb: {  	[smem:$0x3FB0] =	sst s3  }
0xc: {  	[smem:$0x3FB1] =	sst s4  }
0xd: {  	[smem:$0x3FB2] =	sst s5  }
0xe: {  	[smem:$0x3FB3] =	sst s6  }
0xf: {  	[smem:$0x3FB4] =	sst s7  }
0x10: {  	[smem:$0x3FB5] =	sst s8  }
0x11: {  	[smem:$0x3FB6] =	sst s9;
	s0 =	simm.s32 @!p0 $0x0  }
0x12: {  	s1 =	sld [smem:$0x3F9C];
	s0 =	simm.s32 @p0 $0x1  }
0x13: {  	[smem:$0x3FB7] =	sst s0;
	s0 =	simm.s32 @!p1 $0x0  }
0x14: {  	s2 =	sld [smem:$0x3F9B];
	s0 =	simm.s32 @p1 $0x1  }
0x15: {  	[smem:$0x3FB8] =	sst s0;
	s0 =	simm.s32 @!p2 $0x0  }
0x16: {  	s3 =	sld [smem:$0x3FDB];
	s0 =	simm.s32 @p2 $0x1  }
0x17: {  	s4 =	simm.s32 $0x1BF5;
	[smem:$0x3FBA] =	sst s0  }
0x18: {  	s0 =	sld [smem:$0x3F9D];
	_ =	swait.ge [sflag:s4], $0x0  }
0x19: {  	s7 =	sld [smem:$0x3F9E]  }
0x1a: {  	s8 =	sadd.s32 $0xFFFFE003, lr  }
0x1b: {  	s9 =	sadd.s32 $0xFFFFFEF7, lr;
	s5 =	simm.s32 $0xFFFFFFFF;
	p2 =	slt.u32 s8, $0xFFFFF086  }
0x1c: {  	p1 =	slt.u32 s9, $0xF7A;
	s5 =	simm.s32 @!p2 $0x0  }
0x1d: {  	s5 =	simm.s32 @p1 $0x1;
	p0 =	seq.s32 s7, s2  }
0x1e: {  	s7 =	smul.u32 @!p0 $0xF7A, s2;
	p2 =	seq.s32 @!p0 s5, $0x0  }
0x1f: {  	s9 =	smul.u32 $0xF7A, s1;
	s8 =	simm.s32 @!p0 $0x1BF5;
	p2 =	por !p2, p0  }
0x20: {  	[sflag:s8] =	ssyncset.s32 @!p0 $0xFFFFF086;
	s6 =	sadd.s32 @!p0 s3, s7;
	s7 =	simm.s32 @!p0 $0x108  }
0x21: {  	s3 =	sadd.s32 s3, s9;
	s6 =	sadd.s32 @!p0 $0x88, s6;
	s7 =	simm.s32 @p2 $0x1082  }
0x22: {  	[simem:s7], [sflag:s8] =	dma.local @!p0 [hbm:s6], $0xF7A  }
0x23: {  	s9 =	sor.u32 $0xD0000000, s2;
	s6 =	simm.s32 $0x108;
	_ =	swait.ge @!p0 [sflag:s8], $0x0  }
0x24: {  	s3 =	sadd.s32 $0x88, s3;
	s6 =	simm.s32 @!p1 $0x1082;
	[sflag:s4] =	ssyncset.s32 $0xFFFFF086  }
0x25: {  	[simem:s6], [sflag:s4] =	dma.local [hbm:s3], $0xF7A  }
0x26: {  	[smem:$0x3F9E] =	sst s1;
	(tag) =	ssettag s2;
	_ =	strace s9  }
0x27: {  	s1 =	sld [smem:$0x3FAE]  }
0x28: {  	s2 =	sld [smem:$0x3FAF]  }
0x29: {  	s4 =	sld [smem:$0x3FB1]  }
0x2a: {  	p0 =	seq.s32 s5, $0x0;
	s5 =	sld [smem:$0x3FB2]  }
0x2b: {  	s6 =	sld [smem:$0x3FB3]  }
0x2c: {  	s7 =	sld [smem:$0x3FB4]  }
0x2d: {  	s3 =	simm.s32 $0x108;
	s8 =	sld [smem:$0x3FB5]  }
0x2e: {  	s3 =	simm.s32 @!p0 $0x1082;
	s9 =	sld [smem:$0x3FB6]  }
0x2f: {  	lr =	sadd.s32 s0, s3;
	s0 =	sld [smem:$0x3FAD]  }
0x30: {  	s3 =	sld [smem:$0x3FB0]  }
0x31: {  	[smem:$0x3FB9] =	sst s10  }
0x32: {  	s10 =	sld [smem:$0x3FB7];
	_ =	sdelay $0x3  }
0x33: {  	p0 =	seq.s32 s10, $0x1;
	s10 =	sld [smem:$0x3FB9];
	_ =	sdelay $0x3  }
0x34: {  	[smem:$0x3FB9] =	sst s10  }
0x35: {  	s10 =	sld [smem:$0x3FB8];
	_ =	sdelay $0x3  }
0x36: {  	p1 =	seq.s32 s10, $0x1;
	s10 =	sld [smem:$0x3FB9];
	_ =	sdelay $0x3  }
0x37: {  	[smem:$0x3FB9] =	sst s10  }
0x38: {  	s10 =	sld [smem:$0x3FBA]  }
0x39: {  	_ = 	snop;
	(pc) =	sbr.ind lr, $3  }
0x3a: {  	_ = 	snop  }
0x3b: {  	_ = 	snop  }
0x3c: {  	p2 =	seq.s32 s10, $0x1;
	s10 =	sld [smem:$0x3FB9]  }
0x3d: {  	_ =	shalt  }
0x3e: {  	_ =	shalt  }
0x3f: {  	_ =	shalt  }
0x40: {  	_ =	shalt  }
0x41: {  	_ =	shalt  }
0x42: {  	_ =	shalt  }
0x43: {  	_ =	shalt  }
0x44: {  	_ =	shalt  }
0x45: {  	_ =	shalt  }
0x46: {  	_ =	shalt  }
0x47: {  	_ =	shalt  }
0x48: {  	_ =	shalt  }
0x49: {  	_ =	shalt  }
0x4a: {  	_ =	shalt  }
0x4b: {  	_ =	shalt  }
0x4c: {  	_ =	shalt  }
0x4d: {  	_ =	shalt  }
0x4e: {  	_ =	shalt  }
0x4f: {  	_ =	shalt  }
0x50: {  	_ =	shalt  }
0x51: {  	_ =	shalt  }
0x52: {  	_ =	shalt  }
0x53: {  	_ =	shalt  }
0x54: {  	_ =	shalt  }
0x55: {  	_ =	shalt  }
0x56: {  	_ =	shalt  }
0x57: {  	_ =	shalt  }
0x58: {  	_ =	shalt  }
0x59: {  	_ =	shalt  }
0x5a: {  	_ =	shalt  }
0x5b: {  	_ =	shalt  }
0x5c: {  	_ =	shalt  }
0x5d: {  	_ =	shalt  }
0x5e: {  	_ =	shalt  }
0x5f: {  	_ =	shalt  }
0x60: {  	_ =	shalt  }
0x61: {  	_ =	shalt  }
0x62: {  	_ =	shalt  }
0x63: {  	_ =	shalt  }
0x64: {  	_ =	shalt  }
0x65: {  	_ =	shalt  }
0x66: {  	_ =	shalt  }
0x67: {  	_ =	shalt  }
0x68: {  	_ =	shalt  }
0x69: {  	_ =	shalt  }
0x6a: {  	_ =	shalt  }
0x6b: {  	_ =	shalt  }
0x6c: {  	_ =	shalt  }
0x6d: {  	_ =	shalt  }
0x6e: {  	_ =	shalt  }
0x6f: {  	_ =	shalt  }
0x70: {  	_ =	shalt  }
0x71: {  	_ =	shalt  }
0x72: {  	_ =	shalt  }
0x73: {  	_ =	shalt  }
0x74: {  	_ =	shalt  }
0x75: {  	_ =	shalt  }
0x76: {  	_ =	shalt  }
0x77: {  	_ =	shalt  }
0x78: {  	_ =	shalt  }
0x79: {  	_ =	shalt  }
0x7a: {  	_ =	shalt  }
0x7b: {  	_ =	shalt  }
0x7c: {  	_ =	shalt  }
0x7d: {  	_ =	shalt  }
0x7e: {  	_ =	shalt  }
0x7f: {  	_ =	shalt  }
0x80: {  	_ =	shalt  }
0x81: {  	_ =	shalt  }
0x82: {  	_ =	shalt  }
0x83: {  	_ =	shalt  }
0x84: {  	_ =	shalt  }
0x85: {  	_ =	shalt  }
0x86: {  	_ =	shalt  }
0x87: {  	_ =	shalt  }
.Lfunc_end0:
.L_simem_size_0:
called_computation_lowered:
.L_overlay_start_0:
0x88: {  	s2 =	sld [smem:$0x3FD9]  }
0x89: {  	s3 =	sld [smem:$0x3FFE];
	_ =	sdelay $0x1  }
0x8a: {  	s1 =	srdreg.scid  }
0x8b: {  	s0 =	sand.u32 $0x1, s1  }
0x8c: {  	s15 =	sshll.u32 s0, $0xA;
	s2 =	sadd.s32 s3, s2  }
0x8d: {  	s2 =	sadd.s32 s2, s15  }
0x8e: {  	[smem:$0x3FC5] =	sst s2  }
0x8f: {  	_ = 	snop  }
0x90: {  	s2 =	sld [smem:$0x3FD0];
	_ =	sdelay $0x2  }
0x91: {  	s16 =	simm.s32 $0xA;
	s4 =	simm.s32 $0x10  }
0x92: {  	[smem:s4], [sflag:s16] =	dma.local [hbm:s2], $0x1  }
0x93: {  	_ =	swait.eq [sflag:s16], $0x1  }
0x94: {  	[sflag:s16] =	ssyncset.done $0x0  }
0x95: {  	[sflag:s16] =	ssyncadd.s32 $0xFFFFFFFF  }
0x96: {  	s17 =	sld [smem:$0x12];
	(tm) =	ssettm $0x1  }
0x97: {  	s18 =	sld [smem:$0x3FFB];
	_ =	sdelay $0x3  }
0x98: {  	_ =	strace s18  }
0x99: {  	s3 =	sld [smem:$0x3FFC];
	_ =	sdelay $0x3  }
0x9a: {  	_ =	strace s3  }
0x9b: {  	s3 =	sld [smem:$0x3FFD];
	_ =	sdelay $0x3  }
0x9c: {  	_ =	strace s3  }
0x9d: {  	_ =	strace $0x8FFFFFFF  }
0x9e: {  	s19 =	sld [smem:$0x3FDB];
	_ =	sdelay $0x1  }
0x9f: {  	s20 =	simm.s32 $_scs_section_size  }
0xa0: {  	s5 =	simm.s32 $_size__tile_overlayer_lowered;
	s6 =	simm.s32 $_tile_overlayer_lowered  }
0xa1: {  	s23 =	simm.s32 $0x1BFF;
	s22 =	sshll.u32 s6, $0x1;
	s3 =	sadd.s32 s20, s19  }
0xa2: {  	s7 =	simm.s32 $0x0;
	s21 =	sshll.u32 s5, $0x1;
	s5 =	sadd.s32 s22, s3  }
0xa3: {  	[timem:s7], [sflag:s23] =	dma.local [hbm:s5], s21  }
0xa4: {  	_ =	swait.ge [sflag:s23], s21  }
0xa5: {  	s4 =	ssub.s32 $0x0, s21;
	[sflag:s23] =	ssyncset.done $0x0  }
0xa6: {  	[sflag:s23] =	ssyncadd.s32 s4;
	_ =	sdelay $0x1  }
0xa7: {  	s24 =	simm.s32 $0x1B8B  }
0xa8: {  	_ =	swait.ge [sflag:s24], $0x1  }
0xa9: {  	[sflag:s24] =	ssyncset.done $0x0  }
0xaa: {  	s25 =	simm.s32 $0x1B8E;
	[sflag:s24] =	ssyncadd.s32 $0xFFFFFFFF  }
0xab: {  	s26 =	simm.s32 $execute0_lowered;
	[smem:$0x3FD2] =	sst s25  }
0xac: {  	s4 =	sshll.u32 s26, $0x1;
	_ =	strace $0x80000046;
	[dreg:$0x1] =	wrdreg $0xFFFFFFFF  }
0xad: {  	s28 =	simm.s32 $_size_execute0_lowered;
	s3 =	sadd.s32 s3, s4;
	[dreg:$0x0] =	wrdreg $0x0  }
0xae: {  	s4 =	sshll.u32 s28, $0x1;
	[dreg:$0x2] =	wrdreg s3  }
0xaf: {  	[dreg:$0x3] =	wrdreg s4  }
0xb0: {  	[dreg:$0x4] =	wrdreg $0xC0  }
0xb1: {  	_ =	task [dreg:s7], $0x5FFFF  }
0xb2: {  	[dreg:$0x1] =	wrdreg $0xFFFFFFFF  }
0xb3: {  	[dreg:$0x0] =	wrdreg $0x60  }
0xb4: {  	[dreg:$0x2] =	wrdreg s17  }
0xb5: {  	[dreg:$0x3] =	wrdreg $0x9  }
0xb6: {  	_ =	task.clear_ibuf [dreg:s7], $0x4FFFF;
	_ =	strace $0x90000046  }
0xb7: {  	s29 =	simm.s32 $0x9;
	_ =	strace $0x80000048  }
0xb8: {  	_ =	swait.ge [sflag:s29], $0x1  }
0xb9: {  	[sflag:s29] =	ssyncadd.s32 $0xFFFFFFFF  }
0xba: {  	_ =	strace $0x90000048  }
0xbb: {  	_ =	sfence  }
0xbc: {  	s30 =	sld [smem:$0x0];
	_ =	sdelay $0x2  }
0xbd: {  	s31 =	sshll.u32 s1, $0xD;
	s1 =	sshrl.u32 s1, $0x2  }
0xbe: {  	s3 =	sand.u32 $0x4000, s31;
	s1 =	sadd.s32 s1, s30  }
0xbf: {  	s0 =	sor.u32 s3, s0;
	s1 =	sshll.u32 s1, $0x11  }
0xc0: {  	s0 =	sor.u32 s1, s0  }
0xc1: {  	s0 =	sadd.s32 $0x8F2B, s0  }
0xc2: {  	[sflag:s0] =	ssyncadd.remote.s32 $0x1  }
0xc3: {  	_ =	sfence.sel $0xFFFF  }
0xc4: {  	[dreg:$0x0] =	wrdreg $0xFFFFFFFF;
	(pc) =	sbr.abs _section_cstart, $3  }
0xc5: {  	[dreg:$0x1] =	wrdreg $0xFFFFFFFF  }
0xc6: {  	_ =	task.clear_ibuf [dreg:s7], $0x2FFFF;
	_ =	strace $0x9FFFFFFF  }
0xc7: {  	(tm) =	ssettm $0x7FFFFFFF  }
tec
execute0_lowered:
.L_overlay_start_1:
0x0: {  	(tag) =	ssettag $0x1  }
0x1: {  	s1 =	srdreg.scid;
	s0 =	stileid.u32  }
0x2: {  	s3 =	sand.u32 $0x1, s1;
	s30 =	sshll.u32 s0, $0x1  }
0x3: {  	s4 =	rddreg [dreg:$0x0];
	s31 =	smul.u32 $0x280, s0;
	s2 =	sor.u32 s3, s30  }
0x4: {  	s1 =	rddreg [dreg:$0x1];
	s5 =	ssub.s32 $0x2, s3;
	s7 =	smul.u32 $0x140, s2  }
0x5: {  	s8 =	smul.u32 $0x140, s3;
	s6 =	sshrl.u32 s5, $0x1;
	s2 =	simm.s32 $0x0  }
0x6: {  	s5 =	ssub.s32 s5, s6;
	[smem:$0x7FF] =	sst s2;
	s7 =	sshrl.u32 s7, $0x3  }
0x7: {  	v0 =	vlaneseq.u32;
	s6 =	simm.s32 $0x1;
	_ =	strace $0x80000047;
	s3 =	sadd.s32 s4, s7  }
0x8: {  	v1 =	vimm.s32 $0x0;
	v0 =	vadd.s32 $0x2A, v0;
	s4 =	smax.u32 s5, $0x1;
	s5 =	sadd.s32 s8, s31;
	s7 =	simm.s32 $0x0  }
.LBB2_1:
0x9: {  	v2 =	vadd.s32 s5, v0  }
0xa: {  	v3 =	vshrl.u32 v2, $0x13;
	v4 =	vshll.u32 v2, $0xD  }
0xb: {  	v3 =	vor.u32 v3, v4  }
0xc: {  	v3 =	vxor.u32 v2, v3  }
0xd: {  	v4 =	vshrl.u32 v3, $0x11;
	v5 =	vshll.u32 v3, $0xF  }
0xe: {  	v2 =	vadd.s32 v2, v3;
	v3 =	vor.u32 v4, v5  }
0xf: {  	v3 =	vxor.u32 v2, v3  }
0x10: {  	v4 =	vshrl.u32 v3, $0x6;
	v5 =	vshll.u32 v3, $0x1A  }
0x11: {  	v2 =	vadd.s32 v2, v3;
	v3 =	vor.u32 v4, v5  }
0x12: {  	v3 =	vxor.u32 v2, v3  }
0x13: {  	v4 =	vshrl.u32 v3, $0x1A;
	v5 =	vshll.u32 v3, $0x6  }
0x14: {  	v2 =	vadd.s32 v2, v3;
	v3 =	vor.u32 v4, v5  }
0x15: {  	v3 =	vxor.u32 v2, v3  }
0x16: {  	v3 =	vadd.s32 $0x1BD11BF1, v3  }
0x17: {  	v2 =	vadd.s32 v3, v2;
	v4 =	vshrl.u32 v3, $0xF;
	v3 =	vshll.u32 v3, $0x11  }
0x18: {  	v2 =	vadd.s32 $0x2A, v2;
	v3 =	vor.u32 v4, v3  }
0x19: {  	v3 =	vxor.u32 v2, v3  }
0x1a: {  	v4 =	vshrl.u32 v3, $0x3;
	v5 =	vshll.u32 v3, $0x1D  }
0x1b: {  	v2 =	vadd.s32 v2, v3;
	v3 =	vor.u32 v4, v5  }
0x1c: {  	v3 =	vxor.u32 v2, v3  }
0x1d: {  	v4 =	vshrl.u32 v3, $0x10;
	v5 =	vshll.u32 v3, $0x10  }
0x1e: {  	v2 =	vadd.s32 v2, v3;
	v3 =	vor.u32 v4, v5  }
0x1f: {  	v3 =	vxor.u32 v2, v3  }
0x20: {  	v4 =	vshrl.u32 v3, $0x8;
	v5 =	vshll.u32 v3, $0x18  }
0x21: {  	v2 =	vadd.s32 v2, v3;
	v3 =	vor.u32 v4, v5  }
0x22: {  	v3 =	vxor.u32 v2, v3  }
0x23: {  	v3 =	vadd.s32 $0x2, v3  }
0x24: {  	v2 =	vadd.s32 v3, v2;
	v4 =	vshrl.u32 v3, $0x13;
	v3 =	vshll.u32 v3, $0xD  }
0x25: {  	s10 =	sadd.s32 $0x10, s5;
	v2 =	vadd.s32 $0x1BD11BF0, v2;
	v3 =	vor.u32 v4, v3  }
0x26: {  	v4 =	vadd.s32 s10, v0;
	v3 =	vxor.u32 v2, v3  }
0x27: {  	v5 =	vshrl.u32 v4, $0x13;
	v6 =	vshrl.u32 v3, $0x11;
	v7 =	vshll.u32 v3, $0xF  }
0x28: {  	v8 =	vshll.u32 v4, $0xD;
	v2 =	vadd.s32 v2, v3;
	v3 =	vor.u32 v6, v7  }
0x29: {  	v5 =	vor.u32 v5, v8;
	v3 =	vxor.u32 v2, v3  }
0x2a: {  	v5 =	vxor.u32 v4, v5;
	v6 =	vshrl.u32 v3, $0x6;
	v7 =	vshll.u32 v3, $0x1A  }
0x2b: {  	v4 =	vadd.s32 v4, v5;
	v2 =	vadd.s32 v2, v3;
	v3 =	vor.u32 v6, v7  }
0x2c: {  	v6 =	vshrl.u32 v5, $0x11;
	v5 =	vshll.u32 v5, $0xF;
	v3 =	vxor.u32 v2, v3  }
0x2d: {  	v5 =	vor.u32 v6, v5;
	v6 =	vshrl.u32 v3, $0x1A;
	v7 =	vshll.u32 v3, $0x6  }
0x2e: {  	v5 =	vxor.u32 v4, v5;
	v2 =	vadd.s32 v2, v3;
	v3 =	vor.u32 v6, v7  }
0x2f: {  	s8 =	simm.s32 $0x40;
	s11 =	simm.s32 $0x80;
	s9 =	simm.s32 $0x0;
	v6 =	vshrl.u32 v5, $0x6;
	v7 =	vshll.u32 v5, $0x1A;
	v3 =	vxor.u32 v2, v3  }
.LBB2_2:
0x30: {  	p0 =	sne.s32 s11, $0x4C0;
	v4 =	vadd.s32 v4, v5;
	v5 =	vor.u32 v6, v7;
	v3 =	vadd.s32 $0x2D, v3  }
0x31: {  	v5 =	vxor.u32 v4, v5;
	v6 =	vshrl.u32 v3, $0xF;
	v7 =	vshll.u32 v3, $0x11  }
0x32: {  	v2 =	vadd.s32 v2, v3;
	v4 =	vadd.s32 v4, v5;
	v3 =	vor.u32 v6, v7  }
0x33: {  	v6 =	vshrl.u32 v5, $0x1A;
	v5 =	vshll.u32 v5, $0x6;
	v3 =	vxor.u32 v2, v3  }
0x34: {  	v5 =	vor.u32 v6, v5;
	v6 =	vshrl.u32 v3, $0x3;
	v7 =	vshll.u32 v3, $0x1D  }
0x35: {  	v5 =	vxor.u32 v4, v5;
	v2 =	vadd.s32 v2, v3;
	v3 =	vor.u32 v6, v7  }
0x36: {  	v5 =	vadd.s32 $0x1BD11BF1, v5;
	v3 =	vxor.u32 v2, v3  }
0x37: {  	v4 =	vadd.s32 v5, v4;
	v6 =	vshrl.u32 v3, $0x10;
	v7 =	vshll.u32 v3, $0x10  }
0x38: {  	v8 =	vshrl.u32 v5, $0xF;
	v2 =	vadd.s32 v2, v3;
	v3 =	vor.u32 v6, v7  }
0x39: {  	v5 =	vshll.u32 v5, $0x11;
	v4 =	vadd.s32 $0x2A, v4;
	v3 =	vxor.u32 v2, v3  }
0x3a: {  	v5 =	vor.u32 v8, v5;
	v6 =	vshrl.u32 v3, $0x8;
	v7 =	vshll.u32 v3, $0x18  }
0x3b: {  	v5 =	vxor.u32 v4, v5;
	v2 =	vadd.s32 v2, v3;
	v3 =	vor.u32 v6, v7  }
0x3c: {  	v6 =	vshrl.u32 v5, $0x3;
	v7 =	vshll.u32 v5, $0x1D;
	v3 =	vxor.u32 v2, v3  }
0x3d: {  	v4 =	vadd.s32 v4, v5;
	v5 =	vor.u32 v6, v7;
	v3 =	vadd.s32 $0x1BD11BF4, v3  }
0x3e: {  	v2 =	vadd.s32 v3, v2;
	v6 =	vshrl.u32 v3, $0x13;
	v3 =	vshll.u32 v3, $0xD  }
0x3f: {  	v5 =	vxor.u32 v4, v5;
	v2 =	vadd.s32 $0x2A, v2;
	v3 =	vor.u32 v6, v3  }
0x40: {  	v4 =	vadd.s32 v4, v5;
	v6 =	vshrl.u32 v5, $0x10;
	v3 =	vxor.u32 v2, v3  }
0x41: {  	v5 =	vshll.u32 v5, $0x10;
	v7 =	vshrl.u32 v3, $0x11;
	v8 =	vshll.u32 v3, $0xF  }
0x42: {  	s10 =	sadd.s32 $0x10, s10;
	v5 =	vor.u32 v6, v5;
	v2 =	vadd.s32 v2, v3;
	v3 =	vor.u32 v7, v8  }
0x43: {  	v6 =	vadd.s32 s10, v0;
	v5 =	vxor.u32 v4, v5;
	v3 =	vxor.u32 v2, v3  }
0x44: {  	v7 =	vshrl.u32 v5, $0x8;
	v8 =	vshrl.u32 v3, $0x6;
	v9 =	vshll.u32 v3, $0x1A  }
0x45: {  	v10 =	vshll.u32 v5, $0x18;
	v2 =	vadd.s32 v2, v3;
	v3 =	vor.u32 v8, v9  }
0x46: {  	v4 =	vadd.s32 v4, v5;
	v5 =	vor.u32 v7, v10;
	v3 =	vxor.u32 v2, v3  }
0x47: {  	v5 =	vxor.u32 v4, v5;
	v7 =	vshrl.u32 v3, $0x1A;
	v8 =	vshll.u32 v3, $0x6  }
0x48: {  	v5 =	vadd.s32 $0x2, v5;
	v2 =	vadd.s32 v2, v3;
	v3 =	vor.u32 v7, v8  }
0x49: {  	v4 =	vadd.s32 v5, v4;
	v7 =	vshrl.u32 v5, $0x13;
	v3 =	vxor.u32 v2, v3  }
0x4a: {  	v5 =	vshll.u32 v5, $0xD;
	v2 =	vadd.s32 $0x1BD11BF0, v2;
	v3 =	vadd.s32 $0x5, v3  }
0x4b: {  	v4 =	vadd.s32 $0x1BD11BF0, v4;
	v5 =	vor.u32 v7, v5;
	v2 =	vxor.u32 v2, v3  }
0x4c: {  	v5 =	vxor.u32 v4, v5;
	v3 =	vshrl.u32 v6, $0x13;
	vm0 =	vgt.u32 v2, $0xCCCCDFF  }
0x4d: {  	s12 =	sshra.s32 s9, $0x2;
	s9 =	smov.u32 s8;
	s8 =	smov.u32 s11;
	v7 =	vshll.u32 v5, $0xF;
	v2 =	vshrl.u32 v5, $0x11;
	v8 =	vsel vm0, $0x1, v1  }
0x4e: {  	v9 =	vshll.u32 v6, $0xD;
	v5 =	vadd.s32 v4, v5;
	v2 =	vor.u32 v2, v7;
	[tilespmem:s12+$0x0] =	vst v8  }
0x4f: {  	v3 =	vor.u32 v3, v9;
	v2 =	vxor.u32 v5, v2  }
0x50: {  	v3 =	vxor.u32 v6, v3;
	v7 =	vshrl.u32 v2, $0x6;
	v8 =	vshll.u32 v2, $0x1A  }
.Ltmp0:
0x51: {  	v4 =	vadd.s32 v6, v3;
	v2 =	vadd.s32 v5, v2;
	v5 =	vor.u32 v7, v8;
	(pc) =	sbr.rel @p0 .LBB2_2-.Ltmp0, $4  }
0x52: {  	v6 =	vshrl.u32 v3, $0x11;
	v3 =	vshll.u32 v3, $0xF;
	v7 =	vxor.u32 v2, v5  }
0x53: {  	v3 =	vor.u32 v6, v3;
	v6 =	vshrl.u32 v7, $0x1A;
	v8 =	vshll.u32 v7, $0x6  }
0x54: {  	v5 =	vxor.u32 v4, v3;
	v2 =	vadd.s32 v2, v7;
	v3 =	vor.u32 v6, v8  }
0x55: {  	s11 =	sadd.s32 $0x40, s11;
	v7 =	vshll.u32 v5, $0x1A;
	v6 =	vshrl.u32 v5, $0x6;
	v3 =	vxor.u32 v2, v3  }
0x56: {  	v4 =	vadd.s32 v4, v5;
	v55 =	vor.u32 v6, v7  }
0x57: {  	v5 =	vxor.u32 v4, v55  }
0x58: {  	v56 =	vshrl.u32 v5, $0x1A;
	v57 =	vshll.u32 v5, $0x6  }
0x59: {  	v4 =	vadd.s32 v4, v5;
	v58 =	vor.u32 v56, v57  }
0x5a: {  	v5 =	vxor.u32 v4, v58  }
0x5b: {  	v5 =	vadd.s32 $0x1BD11BF1, v5  }
0x5c: {  	v4 =	vadd.s32 v5, v4;
	v59 =	vshrl.u32 v5, $0xF;
	v5 =	vshll.u32 v5, $0x11  }
0x5d: {  	v4 =	vadd.s32 $0x2A, v4;
	v5 =	vor.u32 v59, v5  }
0x5e: {  	v5 =	vxor.u32 v4, v5  }
0x5f: {  	v60 =	vshrl.u32 v5, $0x3;
	v61 =	vshll.u32 v5, $0x1D  }
0x60: {  	v4 =	vadd.s32 v4, v5;
	v62 =	vor.u32 v60, v61  }
0x61: {  	v5 =	vxor.u32 v4, v62  }
0x62: {  	v63 =	vshrl.u32 v5, $0x10;
	v9 =	vshll.u32 v5, $0x10  }
0x63: {  	v4 =	vadd.s32 v4, v5;
	v10 =	vor.u32 v63, v9  }
0x64: {  	v5 =	vxor.u32 v4, v10  }
0x65: {  	v11 =	vshrl.u32 v5, $0x8;
	v12 =	vshll.u32 v5, $0x18  }
0x66: {  	v4 =	vadd.s32 v4, v5;
	v13 =	vor.u32 v11, v12  }
0x67: {  	v5 =	vxor.u32 v4, v13  }
0x68: {  	v5 =	vadd.s32 $0x2, v5  }
0x69: {  	v4 =	vadd.s32 v5, v4;
	v14 =	vshrl.u32 v5, $0x13;
	v5 =	vshll.u32 v5, $0xD  }
0x6a: {  	v4 =	vadd.s32 $0x1BD11BF0, v4;
	v5 =	vor.u32 v14, v5  }
0x6b: {  	v3 =	vadd.s32 $0x2D, v3;
	v5 =	vxor.u32 v4, v5  }
0x6c: {  	v15 =	vshrl.u32 v3, $0xF;
	v16 =	vshrl.u32 v5, $0x11;
	v8 =	vshll.u32 v5, $0xF  }
0x6d: {  	v9 =	vshll.u32 v3, $0x11;
	v4 =	vadd.s32 v4, v5;
	v17 =	vor.u32 v16, v8  }
0x6e: {  	v2 =	vadd.s32 v2, v3;
	v3 =	vor.u32 v15, v9;
	v5 =	vxor.u32 v4, v17  }
0x6f: {  	v3 =	vxor.u32 v2, v3;
	v18 =	vshrl.u32 v5, $0x6;
	v19 =	vshll.u32 v5, $0x1A  }
0x70: {  	v20 =	vshrl.u32 v3, $0x3;
	v4 =	vadd.s32 v4, v5;
	v21 =	vor.u32 v18, v19  }
0x71: {  	v22 =	vshll.u32 v3, $0x1D;
	v2 =	vadd.s32 v2, v3;
	v3 =	vxor.u32 v4, v21  }
0x72: {  	v23 =	vor.u32 v20, v22;
	v24 =	vshrl.u32 v3, $0x1A;
	v25 =	vshll.u32 v3, $0x6  }
0x73: {  	v5 =	vxor.u32 v2, v23;
	v3 =	vadd.s32 v4, v3;
	v26 =	vor.u32 v24, v25  }
0x74: {  	v27 =	vshrl.u32 v5, $0x10;
	v28 =	vshll.u32 v5, $0x10;
	v4 =	vxor.u32 v3, v26  }
0x75: {  	v2 =	vadd.s32 v2, v5;
	v29 =	vor.u32 v27, v28;
	v4 =	vadd.s32 $0x2D, v4  }
0x76: {  	v5 =	vxor.u32 v2, v29;
	v30 =	vshrl.u32 v4, $0xF;
	v31 =	vshll.u32 v4, $0x11  }
0x77: {  	v32 =	vshrl.u32 v5, $0x8;
	v3 =	vadd.s32 v3, v4;
	v33 =	vor.u32 v30, v31  }
0x78: {  	v34 =	vshll.u32 v5, $0x18;
	v2 =	vadd.s32 v2, v5;
	v4 =	vxor.u32 v3, v33  }
0x79: {  	v35 =	vor.u32 v32, v34;
	v36 =	vshrl.u32 v4, $0x3;
	v37 =	vshll.u32 v4, $0x1D  }
0x7a: {  	v5 =	vxor.u32 v2, v35;
	v3 =	vadd.s32 v3, v4;
	v38 =	vor.u32 v36, v37  }
0x7b: {  	v5 =	vadd.s32 $0x1BD11BF4, v5;
	v4 =	vxor.u32 v3, v38  }
0x7c: {  	v2 =	vadd.s32 v5, v2;
	v39 =	vshrl.u32 v4, $0x10;
	v40 =	vshll.u32 v4, $0x10  }
0x7d: {  	v41 =	vshrl.u32 v5, $0x13;
	v3 =	vadd.s32 v3, v4;
	v42 =	vor.u32 v39, v40  }
0x7e: {  	v5 =	vshll.u32 v5, $0xD;
	v2 =	vadd.s32 $0x2A, v2;
	v4 =	vxor.u32 v3, v42  }
0x7f: {  	v5 =	vor.u32 v41, v5;
	v43 =	vshrl.u32 v4, $0x8;
	v44 =	vshll.u32 v4, $0x18  }
0x80: {  	v5 =	vxor.u32 v2, v5;
	v3 =	vadd.s32 v3, v4;
	v45 =	vor.u32 v43, v44  }
0x81: {  	v46 =	vshrl.u32 v5, $0x11;
	v4 =	vxor.u32 v3, v45  }
0x82: {  	v47 =	vshll.u32 v5, $0xF;
	v2 =	vadd.s32 v2, v5;
	v4 =	vadd.s32 $0x1BD11BF4, v4  }
0x83: {  	v3 =	vadd.s32 v4, v3;
	v48 =	vshrl.u32 v4, $0x13;
	v4 =	vshll.u32 v4, $0xD  }
0x84: {  	v6 =	vor.u32 v46, v47;
	v3 =	vadd.s32 $0x2A, v3;
	v4 =	vor.u32 v48, v4  }
0x85: {  	v49 =	vxor.u32 v2, v6;
	v4 =	vxor.u32 v3, v4  }
0x86: {  	v6 =	vshrl.u32 v49, $0x6;
	v50 =	vshrl.u32 v4, $0x11;
	v51 =	vshll.u32 v4, $0xF  }
0x87: {  	v52 =	vshll.u32 v49, $0x1A;
	v3 =	vadd.s32 v3, v4;
	v53 =	vor.u32 v50, v51  }
0x88: {  	v2 =	vadd.s32 v2, v49;
	v54 =	vor.u32 v6, v52;
	v4 =	vxor.u32 v3, v53  }
0x89: {  	v5 =	vxor.u32 v2, v54;
	v55 =	vshrl.u32 v4, $0x6;
	v56 =	vshll.u32 v4, $0x1A  }
0x8a: {  	v57 =	vshrl.u32 v5, $0x1A;
	v3 =	vadd.s32 v3, v4;
	v58 =	vor.u32 v55, v56  }
0x8b: {  	v59 =	vshll.u32 v5, $0x6;
	v2 =	vadd.s32 v2, v5;
	v4 =	vxor.u32 v3, v58  }
0x8c: {  	v60 =	vor.u32 v57, v59;
	v61 =	vshrl.u32 v4, $0x1A;
	v62 =	vshll.u32 v4, $0x6  }
0x8d: {  	v5 =	vxor.u32 v2, v60;
	v3 =	vadd.s32 v3, v4;
	v63 =	vor.u32 v61, v62  }
0x8e: {  	v2 =	vadd.s32 $0x1BD11BF0, v2;
	v5 =	vadd.s32 $0x5, v5;
	v4 =	vxor.u32 v3, v63  }
0x8f: {  	v2 =	vxor.u32 v2, v5;
	v3 =	vadd.s32 $0x1BD11BF0, v3;
	v4 =	vadd.s32 $0x5, v4  }
0x90: {  	vm0 =	vgt.u32 v2, $0xCCCCDFF;
	v2 =	vxor.u32 v3, v4  }
0x91: {  	s9 =	sshra.s32 s9, $0x2;
	s7 =	sadd.s32 $0x1, s7;
	v3 =	vsel vm0, $0x1, v1;
	vm15 =	vgt.u32 v2, $0xCCCCDFF  }
0x92: {  	s8 =	sshra.s32 s8, $0x2;
	p0 =	sne.s32 s7, s4;
	[tilespmem:s9+$0x0] =	vst v3;
	v2 =	vsel vm15, $0x1, v1  }
.Ltmp1:
0x93: {  	[tilespmem:s8+$0x0] =	vst v2;
	(pc) =	sbr.rel @p0 .LBB2_1-.Ltmp1, $4  }
0x94: {  	[hbm4b:s3+s2] =	stream.linear.scatter [tilespmem:s2], [sflag:$0x1], $0x140, $0x38;
	[tilespmem:$0x180] =	vst v63  }
0x95: {  	_ =	swait.ge [sflag:s6], $0x140  }
0x96: {  	[sflag:s6] =	ssyncset.done $0x0  }
0x97: {  	[sflag:s6] =	ssyncadd.s32 $0xFFFFFEC0  }
0x98: {  	_ =	sfence.sel $0x180000  }
0x99: {  	[bflag:$0x0] =	sbarrier.arrive $0xFFFF  }
0x9a: {  	p0 =	sne.s32 s0, $0x0;
	_ =	strace $0x90000047  }
0x9b: {  	s0 =	sadd.s32 @!p0 $0x100000, s1;
	[bflag:$0x2] =	sbarrier.arrive $0xFFFF  }
0x9c: {  	[sflag:s0] =	ssyncadd.tile.s32 @!p0 $0x1;
	_ =	shalt  }
.Lfunc_end2:
_tile_overlayer_lowered:
.L_overlay_start_2:
0x9d: {  	(tag) =	ssettag $0x2  }
0x9e: {  	s0 =	rddreg [dreg:$0x0];
	s2 =	stileid.u32  }
0x9f: {  	s1 =	rddreg [dreg:$0x1];
	p0 =	sne.s32 s2, $0x0  }
0xa0: {  	s3 =	rddreg [dreg:$0x2];
	[bflag:$0x3] =	sbarrier.arrive $0xFFFF;
	s2 =	simm.s32 @!p0 $0x1C01  }
0xa1: {  	[timem:s3], [sflag:s2] =	dma.local @!p0 [hbm:s0], s1  }
0xa2: {  	s0 =	simm.s32 @!p0 $0x1  }
0xa3: {  	_ =	swait.ge @!p0 [sflag:s0], s1  }
0xa4: {  	s1 =	ssub.s32 @!p0 $0x0, s1;
	[sflag:s0] =	ssyncset.done @!p0 $0x0  }
0xa5: {  	[sflag:s0] =	ssyncadd.s32 @!p0 s1  }
0xa6: {  	[bflag:$0x3] =	sbarrier.arrive $0xFFFF  }
0xa7: {  	_ =	shalt  }

</sc_bundles>
